<compile_context>
chip_gen: v7x
topology: tpu7x:2x2x1
jax: 0.10.2.dev20260603
libtpu: 0.0.44.dev20260713+nightly
codegen_flags: <defaults>
</compile_context>

<pallas_src>
import functools

import jax
import jax.numpy as jnp
from jax import lax
from jax.experimental import pallas as pl
from jax.experimental.pallas import tpu as pltpu
from jax.experimental.pallas import tpu_sc as plsc

NUM_ATTR = 8
DIM = 128
BATCH = 16384
EPS = 1e-06

_NC = 2
_NS = 16
_NW = _NC * _NS
_BPW = BATCH // _NW
_PRW = _BPW // 128

_BLK = 2048
_PK = _BLK // 128


def _softplus(s):
    t = jnp.exp(-jnp.abs(s))
    u = t * (6.0 + t) / (6.0 + 4.0 * t)
    for _ in range(2):
        u = u + (1.0 + t) * jnp.exp(-u) - 1.0
    return jnp.maximum(s, 0.0) + u


def _sc_gather(attr_hbm, mus_hbm, sig_hbm, mu_out, inv_out,
               idx_v, mu_v, sig_v, inv_v, mug_v, invg_v):
    wid = lax.axis_index("s") * _NC + lax.axis_index("c")
    base = wid * _BPW

    pltpu.sync_copy(mus_hbm, mu_v)
    pltpu.sync_copy(sig_hbm, sig_v)

    lanes = lax.iota(jnp.int32, 16)

    sig = plsc.load_gather(sig_v, [lanes % NUM_ATTR])
    plsc.store_scatter(inv_v, [lanes], 1.0 / (_softplus(sig) + EPS))

    def group(g, _):
        rows = g * 16 + lanes
        idxv = plsc.load_gather(idx_v, [rows])
        pr, pc = rows >> 7, rows & 127
        plsc.store_scatter(mug_v, [pr, pc], plsc.load_gather(mu_v, [idxv]))
        plsc.store_scatter(invg_v, [pr, pc], plsc.load_gather(inv_v, [idxv]))
        return _


    pltpu.sync_copy(mug_v, mu_out.at[pl.ds(wid * _PRW, _PRW), :])
    pltpu.sync_copy(invg_v, inv_out.at[pl.ds(wid * _PRW, _PRW), :])


def _tc_normalize(x_ref, mu_ref, inv_ref, o_ref):
    mt = jnp.swapaxes(mu_ref[...], 0, 1)
    it = jnp.swapaxes(inv_ref[...], 0, 1)
    for k in range(_PK):
        xk = x_ref[k * 128:(k + 1) * 128, :]
        o_ref[k * 128:(k + 1) * 128, :] = (xk - mt[:, k:k + 1]) * it[:, k:k + 1]


@jax.jit
def kernel(x, attr, mus, sigmas):
    attr32 = attr.astype(jnp.int32)

    mesh = plsc.VectorSubcoreMesh(core_axis_name="c", subcore_axis_name="s")
    gather = functools.partial(
        pl.kernel,
        out_type=(
            jax.ShapeDtypeStruct((BATCH // 128, 128), jnp.float32),
            jax.ShapeDtypeStruct((BATCH // 128, 128), jnp.float32),
        ),
        mesh=mesh,
        scratch_types=[
            pltpu.VMEM((_BPW,), jnp.int32),
            pltpu.VMEM((NUM_ATTR,), jnp.float32),
            pltpu.VMEM((NUM_ATTR,), jnp.float32),
            pltpu.VMEM((16,), jnp.float32),
            pltpu.VMEM((_PRW, 128), jnp.float32),
            pltpu.VMEM((_PRW, 128), jnp.float32),
        ],
        compiler_params=pltpu.CompilerParams(needs_layout_passes=False),
    )(_sc_gather)
    mu_g, inv_g = gather(attr32, mus, sigmas)
    return (mu_g, inv_g)

    grid = BATCH // _BLK
    return pl.pallas_call(
        _tc_normalize,
        grid=(grid,),
        in_specs=[
            pl.BlockSpec((_BLK, DIM), lambda i: (i, 0)),
            pl.BlockSpec((_PK, 128), lambda i: (i, 0)),
            pl.BlockSpec((_PK, 128), lambda i: (i, 0)),
        ],
        out_specs=pl.BlockSpec((_BLK, DIM), lambda i: (i, 0)),
        out_shape=jax.ShapeDtypeStruct((BATCH, DIM), jnp.float32),
    )(x, mu_g, inv_g)

# --- scband reference (transcript-rebuilt; emitter-appended) ---
"""Pipeline reference for scband-fair-identity-normalizer-single-67791763800436 (READ-ONLY COPY).

The authoritative reference and input builder live on the scoring server;
editing this copy changes nothing except your own understanding.
"""

import jax, jax.numpy as jnp
import numpy as np

NUM_ATTR = 8
DIM = 128
BATCH = 16384
MU = 0.001
SIGMA = 1.0
MOMENTUM = 0.0
EPS = 1e-06

def setup_inputs(seed: int = 0) -> dict:
    key = jax.random.key(seed)
    k1, k2, k3 = jax.random.split(key, 3)
    x = jax.random.normal(k1, (BATCH, DIM), dtype=jnp.float32)
    attr = jax.random.randint(k2, (BATCH,), 0, NUM_ATTR, dtype=jnp.int64)
    mus = jax.random.normal(k3, (NUM_ATTR,), dtype=jnp.float32) * MU
    sigmas = jnp.ones((NUM_ATTR,), dtype=jnp.float32) * SIGMA
    return {"x": x, "attr": attr, "mus": mus, "sigmas": sigmas}

def reference(x, attr, mus, sigmas):
    x_clone = x
    mu_g = jnp.take(mus, attr, axis=0)[:, None]            # gather [B,1]
    sig_g = jnp.take(sigmas, attr, axis=0)[:, None]        # gather [B,1]
    denom = jnp.log(1.0 + jnp.exp(sig_g)) + EPS
    x_norm = (x - mu_g) / denom
    out = (1.0 - MOMENTUM) * x_norm + MOMENTUM * x_clone
    return out

if __name__ == "__main__":
    import jax
    _d = setup_inputs()
    print(jax.jit(kernel)(*tuple(_d.values())))

</pallas_src>

<mosaic_0001>
#map = affine_map<(d0, d1) -> (0)>
#map1 = affine_map<(d0, d1) -> (0, 0)>
module attributes {stable_mosaic.version = 14 : i64} {
  func.func @_sc_gather(%arg0: i32, %arg1: i32, %arg2: memref<16384xi32, #tpu.memory_space<hbm>>, %arg3: memref<8xf32, #tpu.memory_space<hbm>>, %arg4: memref<8xf32, #tpu.memory_space<hbm>>, %arg5: memref<128x128xf32, #tpu.memory_space<hbm>>, %arg6: memref<128x128xf32, #tpu.memory_space<hbm>>, %arg7: memref<512xi32, #tpu.memory_space<vmem>>, %arg8: memref<8xf32, #tpu.memory_space<vmem>>, %arg9: memref<8xf32, #tpu.memory_space<vmem>>, %arg10: memref<16xf32, #tpu.memory_space<vmem>>, %arg11: memref<4x128xf32, #tpu.memory_space<vmem>>, %arg12: memref<4x128xf32, #tpu.memory_space<vmem>>) attributes {dimension_semantics = [#tpu.dimension_semantics<core_parallel>, #tpu.dimension_semantics<subcore_parallel>], iteration_bounds = array<i64: 2, 16>, scalar_prefetch = 0 : i64, scratch_operands = 6 : i64, tpu.core_type = #tpu.core_type<sc_vector_subcore>, window_params = [{transform_indices = #map}, {transform_indices = #map}, {transform_indices = #map}, {transform_indices = #map1}, {transform_indices = #map1}]} {
    %mul3A = arith.constant 2 : i32
    %mul3A_0 = arith.muli %arg1, %mul3A : i32
    %add3A = arith.addi %mul3A_0, %arg0 : i32
    %mul3A_1 = arith.constant 512 : i32
    %mul3A_2 = arith.muli %add3A, %mul3A_1 : i32
    "tpu.region"() ({
      %run_scoped3A = tpu.sem_alloc : memref<!tpu.dma_semaphore, #tpu.memory_space<semaphore_mem>>
      tpu.enqueue_dma source(%arg3 : memref<8xf32, #tpu.memory_space<hbm>>) target(%arg8 : memref<8xf32, #tpu.memory_space<vmem>>) target_semaphore(%run_scoped3A : memref<!tpu.dma_semaphore, #tpu.memory_space<semaphore_mem>>)
      tpu.wait_dma2 semaphore(%run_scoped3A : memref<!tpu.dma_semaphore, #tpu.memory_space<semaphore_mem>>) src(%arg3 : memref<8xf32, #tpu.memory_space<hbm>>) dst(%arg8 : memref<8xf32, #tpu.memory_space<vmem>>)
      tpu.yield
    }) : () -> ()
    "tpu.region"() ({
      %run_scoped3A = tpu.sem_alloc : memref<!tpu.dma_semaphore, #tpu.memory_space<semaphore_mem>>
      tpu.enqueue_dma source(%arg4 : memref<8xf32, #tpu.memory_space<hbm>>) target(%arg9 : memref<8xf32, #tpu.memory_space<vmem>>) target_semaphore(%run_scoped3A : memref<!tpu.dma_semaphore, #tpu.memory_space<semaphore_mem>>)
      tpu.wait_dma2 semaphore(%run_scoped3A : memref<!tpu.dma_semaphore, #tpu.memory_space<semaphore_mem>>) src(%arg4 : memref<8xf32, #tpu.memory_space<hbm>>) dst(%arg9 : memref<8xf32, #tpu.memory_space<vmem>>)
      tpu.yield
    }) : () -> ()
    %iota3A = tpu.iota {dimensions = array<i32: 0>} : vector<16xi32>
    %jit3A = arith.constant 8 : i32
    %eq3A = arith.constant 0 : i32
    %eq3A_3 = arith.cmpi eq, %jit3A, %eq3A : i32
    %jit3A_4 = arith.constant 1 : i32
    %select_n3A = arith.select %eq3A_3, %jit3A_4, %jit3A : i32
    %rem3A = vector.broadcast %select_n3A : i32 to vector<16xi32>
    %rem3A_5 = arith.remsi %iota3A, %rem3A : vector<16xi32>
    %ne3A = arith.constant 0 : i32
    %ne3A_6 = vector.broadcast %ne3A : i32 to vector<16xi32>
    %ne3A_7 = arith.cmpi ne, %rem3A_5, %ne3A_6 : vector<16xi32>
    %lt3A = arith.constant 0 : i32
    %lt3A_8 = vector.broadcast %lt3A : i32 to vector<16xi32>
    %lt3A_9 = arith.cmpi slt, %rem3A_5, %lt3A_8 : vector<16xi32>
    %lt3A_10 = arith.constant 0 : i32
    %lt3A_11 = arith.cmpi slt, %select_n3A, %lt3A_10 : i32
    %ne3A_12 = vector.broadcast %lt3A_11 : i1 to vector<16xi1>
    %ne3A_13 = vector.broadcast %ne3A_12 : vector<16xi1> to vector<16xi1>
    %ne3A_14 = arith.xori %lt3A_9, %ne3A_13 : vector<16xi1>
    %and3A = arith.andi %ne3A_14, %ne3A_7 : vector<16xi1>
    %add3A_15 = vector.broadcast %select_n3A : i32 to vector<16xi32>
    %add3A_16 = arith.addi %rem3A_5, %add3A_15 : vector<16xi32>
    %select_n3A_17 = arith.select %and3A, %add3A_16, %rem3A_5 : vector<16xi1>, vector<16xi32>
    %gather3A = tpu.vector_load_idx %arg9[%select_n3A_17] : memref<8xf32, #tpu.memory_space<vmem>>[vector<16xi32>], vector<16xf32>,
    %abs3A = math.absf %gather3A : vector<16xf32>
    %neg3A = arith.constant 0.000000e+00 : f32
    %neg3A_18 = vector.broadcast %neg3A : f32 to vector<16xf32>
    %neg3A_19 = arith.subf %neg3A_18, %abs3A : vector<16xf32>
    %exp3A = math.exp %neg3A_19 : vector<16xf32>
    %add3A_20 = arith.constant 6.000000e+00 : f32
    %add3A_21 = vector.broadcast %add3A_20 : f32 to vector<16xf32>
    %add3A_22 = arith.addf %add3A_21, %exp3A : vector<16xf32>
    %mul3A_23 = arith.mulf %exp3A, %add3A_22 : vector<16xf32>
    %mul3A_24 = arith.constant 4.000000e+00 : f32
    %mul3A_25 = vector.broadcast %mul3A_24 : f32 to vector<16xf32>
    %mul3A_26 = arith.mulf %mul3A_25, %exp3A : vector<16xf32>
    %add3A_27 = arith.constant 6.000000e+00 : f32
    %add3A_28 = vector.broadcast %add3A_27 : f32 to vector<16xf32>
    %add3A_29 = arith.addf %add3A_28, %mul3A_26 : vector<16xf32>
    %div3A = arith.divf %mul3A_23, %add3A_29 : vector<16xf32>
    %add3A_30 = arith.constant 1.000000e+00 : f32
    %add3A_31 = vector.broadcast %add3A_30 : f32 to vector<16xf32>
    %add3A_32 = arith.addf %add3A_31, %exp3A : vector<16xf32>
    %neg3A_33 = arith.constant 0.000000e+00 : f32
    %neg3A_34 = vector.broadcast %neg3A_33 : f32 to vector<16xf32>
    %neg3A_35 = arith.subf %neg3A_34, %div3A : vector<16xf32>
    %exp3A_36 = math.exp %neg3A_35 : vector<16xf32>
    %mul3A_37 = arith.mulf %add3A_32, %exp3A_36 : vector<16xf32>
    %add3A_38 = arith.addf %div3A, %mul3A_37 : vector<16xf32>
    %sub3A = arith.constant 1.000000e+00 : f32
    %sub3A_39 = vector.broadcast %sub3A : f32 to vector<16xf32>
    %sub3A_40 = arith.subf %add3A_38, %sub3A_39 : vector<16xf32>
    %add3A_41 = arith.constant 1.000000e+00 : f32
    %add3A_42 = vector.broadcast %add3A_41 : f32 to vector<16xf32>
    %add3A_43 = arith.addf %add3A_42, %exp3A : vector<16xf32>
    %neg3A_44 = arith.constant 0.000000e+00 : f32
    %neg3A_45 = vector.broadcast %neg3A_44 : f32 to vector<16xf32>
    %neg3A_46 = arith.subf %neg3A_45, %sub3A_40 : vector<16xf32>
    %exp3A_47 = math.exp %neg3A_46 : vector<16xf32>
    %mul3A_48 = arith.mulf %add3A_43, %exp3A_47 : vector<16xf32>
    %add3A_49 = arith.addf %sub3A_40, %mul3A_48 : vector<16xf32>
    %sub3A_50 = arith.constant 1.000000e+00 : f32
    %sub3A_51 = vector.broadcast %sub3A_50 : f32 to vector<16xf32>
    %sub3A_52 = arith.subf %add3A_49, %sub3A_51 : vector<16xf32>
    %max3A = arith.constant 0.000000e+00 : f32
    %max3A_53 = vector.broadcast %max3A : f32 to vector<16xf32>
    %max3A_54 = arith.maximumf %gather3A, %max3A_53 : vector<16xf32>
    %add3A_55 = arith.addf %max3A_54, %sub3A_52 : vector<16xf32>
    %add3A_56 = arith.constant 9.99999997E-7 : f32
    %add3A_57 = vector.broadcast %add3A_56 : f32 to vector<16xf32>
    %add3A_58 = arith.addf %add3A_55, %add3A_57 : vector<16xf32>
    %div3A_59 = arith.constant 1.000000e+00 : f32
    %div3A_60 = vector.broadcast %div3A_59 : f32 to vector<16xf32>
    %div3A_61 = arith.divf %div3A_60, %add3A_58 : vector<16xf32>
    tpu.vector_store_idx %arg10[%iota3A], %div3A_61 : memref<16xf32, #tpu.memory_space<vmem>>[vector<16xi32>], vector<16xf32>,
    %mul3A_62 = arith.constant 4 : i32
    %mul3A_63 = arith.muli %add3A, %mul3A_62 : i32
    "tpu.region"() ({
      %run_scoped3A = tpu.sem_alloc : memref<!tpu.dma_semaphore, #tpu.memory_space<semaphore_mem>>
      %dma_start3A = arith.constant 0 : i32
      %dma_start3A_66 = tpu.memref_slice %arg5[%mul3A_63, %dma_start3A] : memref<128x128xf32, #tpu.memory_space<hbm>> -> memref<4x128xf32, #tpu.memory_space<hbm>>
      %dma_start3A_67 = arith.constant 0 : i32
      %dma_start3A_68 = tpu.memref_slice %arg5[%mul3A_63, %dma_start3A_67] : memref<128x128xf32, #tpu.memory_space<hbm>> -> memref<4x128xf32, #tpu.memory_space<hbm>>
      tpu.enqueue_dma source(%arg11 : memref<4x128xf32, #tpu.memory_space<vmem>>) target(%dma_start3A_68 : memref<4x128xf32, #tpu.memory_space<hbm>>) target_semaphore(%run_scoped3A : memref<!tpu.dma_semaphore, #tpu.memory_space<semaphore_mem>>)
      %dma_wait3A = arith.constant 0 : i32
      %dma_wait3A_69 = tpu.memref_slice %arg5[%mul3A_63, %dma_wait3A] : memref<128x128xf32, #tpu.memory_space<hbm>> -> memref<4x128xf32, #tpu.memory_space<hbm>>
      %dma_wait3A_70 = arith.constant 0 : i32
      %dma_wait3A_71 = tpu.memref_slice %arg5[%mul3A_63, %dma_wait3A_70] : memref<128x128xf32, #tpu.memory_space<hbm>> -> memref<4x128xf32, #tpu.memory_space<hbm>>
      tpu.wait_dma2 semaphore(%run_scoped3A : memref<!tpu.dma_semaphore, #tpu.memory_space<semaphore_mem>>) src(%arg11 : memref<4x128xf32, #tpu.memory_space<vmem>>) dst(%dma_wait3A_71 : memref<4x128xf32, #tpu.memory_space<hbm>>)
      tpu.yield
    }) : () -> ()
    %mul3A_64 = arith.constant 4 : i32
    %mul3A_65 = arith.muli %add3A, %mul3A_64 : i32
    "tpu.region"() ({
      %run_scoped3A = tpu.sem_alloc : memref<!tpu.dma_semaphore, #tpu.memory_space<semaphore_mem>>
      %dma_start3A = arith.constant 0 : i32
      %dma_start3A_66 = tpu.memref_slice %arg6[%mul3A_65, %dma_start3A] : memref<128x128xf32, #tpu.memory_space<hbm>> -> memref<4x128xf32, #tpu.memory_space<hbm>>
      %dma_start3A_67 = arith.constant 0 : i32
      %dma_start3A_68 = tpu.memref_slice %arg6[%mul3A_65, %dma_start3A_67] : memref<128x128xf32, #tpu.memory_space<hbm>> -> memref<4x128xf32, #tpu.memory_space<hbm>>
      tpu.enqueue_dma source(%arg12 : memref<4x128xf32, #tpu.memory_space<vmem>>) target(%dma_start3A_68 : memref<4x128xf32, #tpu.memory_space<hbm>>) target_semaphore(%run_scoped3A : memref<!tpu.dma_semaphore, #tpu.memory_space<semaphore_mem>>)
      %dma_wait3A = arith.constant 0 : i32
      %dma_wait3A_69 = tpu.memref_slice %arg6[%mul3A_65, %dma_wait3A] : memref<128x128xf32, #tpu.memory_space<hbm>> -> memref<4x128xf32, #tpu.memory_space<hbm>>
      %dma_wait3A_70 = arith.constant 0 : i32
      %dma_wait3A_71 = tpu.memref_slice %arg6[%mul3A_65, %dma_wait3A_70] : memref<128x128xf32, #tpu.memory_space<hbm>> -> memref<4x128xf32, #tpu.memory_space<hbm>>
      tpu.wait_dma2 semaphore(%run_scoped3A : memref<!tpu.dma_semaphore, #tpu.memory_space<semaphore_mem>>) src(%arg12 : memref<4x128xf32, #tpu.memory_space<vmem>>) dst(%dma_wait3A_71 : memref<4x128xf32, #tpu.memory_space<hbm>>)
      tpu.yield
    }) : () -> ()
    return
  }
}

</mosaic_0001>

<sc_bundles>
// kernel: kernel.3.cloned.1.call-start
scs
__scs_entry_jumppad:
0x0: {  	(pc) =	sbr.rel $0x88, $3  }
0x1: {  	(tag) =	ssettag $0x0;
	lr =	simm.s32 $0x1  }
0x2: {  	[smem:$0x3F9E] =	sst lr;
	_ =	strace $0xD0000000  }
0x3: {  	_ = 	snop  }
0x4: {  	_ = 	snop  }
0x5: {  	_ = 	snop  }
0x6: {  	_ = 	snop  }
0x7: {  	_ = 	snop  }
__scs_overlays_trampoline_lowered:
0x8: {  	[smem:$0x3FAD] =	sst s0  }
0x9: {  	[smem:$0x3FAE] =	sst s1  }
0xa: {  	[smem:$0x3FAF] =	sst s2  }
0xb: {  	[smem:$0x3FB0] =	sst s3  }
0xc: {  	[smem:$0x3FB1] =	sst s4  }
0xd: {  	[smem:$0x3FB2] =	sst s5  }
0xe: {  	[smem:$0x3FB3] =	sst s6  }
0xf: {  	[smem:$0x3FB4] =	sst s7  }
0x10: {  	[smem:$0x3FB5] =	sst s8  }
0x11: {  	[smem:$0x3FB6] =	sst s9;
	s0 =	simm.s32 @!p0 $0x0  }
0x12: {  	s1 =	sld [smem:$0x3F9C];
	s0 =	simm.s32 @p0 $0x1  }
0x13: {  	[smem:$0x3FB7] =	sst s0;
	s0 =	simm.s32 @!p1 $0x0  }
0x14: {  	s2 =	sld [smem:$0x3F9B];
	s0 =	simm.s32 @p1 $0x1  }
0x15: {  	[smem:$0x3FB8] =	sst s0;
	s0 =	simm.s32 @!p2 $0x0  }
0x16: {  	s3 =	sld [smem:$0x3FDB];
	s0 =	simm.s32 @p2 $0x1  }
0x17: {  	s4 =	simm.s32 $0x1BF5;
	[smem:$0x3FBA] =	sst s0  }
0x18: {  	s0 =	sld [smem:$0x3F9D];
	_ =	swait.ge [sflag:s4], $0x0  }
0x19: {  	s7 =	sld [smem:$0x3F9E]  }
0x1a: {  	s8 =	sadd.s32 $0xFFFFE003, lr  }
0x1b: {  	s9 =	sadd.s32 $0xFFFFFEF7, lr;
	s5 =	simm.s32 $0xFFFFFFFF;
	p2 =	slt.u32 s8, $0xFFFFF086  }
0x1c: {  	p1 =	slt.u32 s9, $0xF7A;
	s5 =	simm.s32 @!p2 $0x0  }
0x1d: {  	s5 =	simm.s32 @p1 $0x1;
	p0 =	seq.s32 s7, s2  }
0x1e: {  	s7 =	smul.u32 @!p0 $0xF7A, s2;
	p2 =	seq.s32 @!p0 s5, $0x0  }
0x1f: {  	s9 =	smul.u32 $0xF7A, s1;
	s8 =	simm.s32 @!p0 $0x1BF5;
	p2 =	por !p2, p0  }
0x20: {  	[sflag:s8] =	ssyncset.s32 @!p0 $0xFFFFF086;
	s6 =	sadd.s32 @!p0 s3, s7;
	s7 =	simm.s32 @!p0 $0x108  }
0x21: {  	s3 =	sadd.s32 s3, s9;
	s6 =	sadd.s32 @!p0 $0x88, s6;
	s7 =	simm.s32 @p2 $0x1082  }
0x22: {  	[simem:s7], [sflag:s8] =	dma.local @!p0 [hbm:s6], $0xF7A  }
0x23: {  	s9 =	sor.u32 $0xD0000000, s2;
	s6 =	simm.s32 $0x108;
	_ =	swait.ge @!p0 [sflag:s8], $0x0  }
0x24: {  	s3 =	sadd.s32 $0x88, s3;
	s6 =	simm.s32 @!p1 $0x1082;
	[sflag:s4] =	ssyncset.s32 $0xFFFFF086  }
0x25: {  	[simem:s6], [sflag:s4] =	dma.local [hbm:s3], $0xF7A  }
0x26: {  	[smem:$0x3F9E] =	sst s1;
	(tag) =	ssettag s2;
	_ =	strace s9  }
0x27: {  	s1 =	sld [smem:$0x3FAE]  }
0x28: {  	s2 =	sld [smem:$0x3FAF]  }
0x29: {  	s4 =	sld [smem:$0x3FB1]  }
0x2a: {  	p0 =	seq.s32 s5, $0x0;
	s5 =	sld [smem:$0x3FB2]  }
0x2b: {  	s6 =	sld [smem:$0x3FB3]  }
0x2c: {  	s7 =	sld [smem:$0x3FB4]  }
0x2d: {  	s3 =	simm.s32 $0x108;
	s8 =	sld [smem:$0x3FB5]  }
0x2e: {  	s3 =	simm.s32 @!p0 $0x1082;
	s9 =	sld [smem:$0x3FB6]  }
0x2f: {  	lr =	sadd.s32 s0, s3;
	s0 =	sld [smem:$0x3FAD]  }
0x30: {  	s3 =	sld [smem:$0x3FB0]  }
0x31: {  	[smem:$0x3FB9] =	sst s10  }
0x32: {  	s10 =	sld [smem:$0x3FB7];
	_ =	sdelay $0x3  }
0x33: {  	p0 =	seq.s32 s10, $0x1;
	s10 =	sld [smem:$0x3FB9];
	_ =	sdelay $0x3  }
0x34: {  	[smem:$0x3FB9] =	sst s10  }
0x35: {  	s10 =	sld [smem:$0x3FB8];
	_ =	sdelay $0x3  }
0x36: {  	p1 =	seq.s32 s10, $0x1;
	s10 =	sld [smem:$0x3FB9];
	_ =	sdelay $0x3  }
0x37: {  	[smem:$0x3FB9] =	sst s10  }
0x38: {  	s10 =	sld [smem:$0x3FBA]  }
0x39: {  	_ = 	snop;
	(pc) =	sbr.ind lr, $3  }
0x3a: {  	_ = 	snop  }
0x3b: {  	_ = 	snop  }
0x3c: {  	p2 =	seq.s32 s10, $0x1;
	s10 =	sld [smem:$0x3FB9]  }
0x3d: {  	_ =	shalt  }
0x3e: {  	_ =	shalt  }
0x3f: {  	_ =	shalt  }
0x40: {  	_ =	shalt  }
0x41: {  	_ =	shalt  }
0x42: {  	_ =	shalt  }
0x43: {  	_ =	shalt  }
0x44: {  	_ =	shalt  }
0x45: {  	_ =	shalt  }
0x46: {  	_ =	shalt  }
0x47: {  	_ =	shalt  }
0x48: {  	_ =	shalt  }
0x49: {  	_ =	shalt  }
0x4a: {  	_ =	shalt  }
0x4b: {  	_ =	shalt  }
0x4c: {  	_ =	shalt  }
0x4d: {  	_ =	shalt  }
0x4e: {  	_ =	shalt  }
0x4f: {  	_ =	shalt  }
0x50: {  	_ =	shalt  }
0x51: {  	_ =	shalt  }
0x52: {  	_ =	shalt  }
0x53: {  	_ =	shalt  }
0x54: {  	_ =	shalt  }
0x55: {  	_ =	shalt  }
0x56: {  	_ =	shalt  }
0x57: {  	_ =	shalt  }
0x58: {  	_ =	shalt  }
0x59: {  	_ =	shalt  }
0x5a: {  	_ =	shalt  }
0x5b: {  	_ =	shalt  }
0x5c: {  	_ =	shalt  }
0x5d: {  	_ =	shalt  }
0x5e: {  	_ =	shalt  }
0x5f: {  	_ =	shalt  }
0x60: {  	_ =	shalt  }
0x61: {  	_ =	shalt  }
0x62: {  	_ =	shalt  }
0x63: {  	_ =	shalt  }
0x64: {  	_ =	shalt  }
0x65: {  	_ =	shalt  }
0x66: {  	_ =	shalt  }
0x67: {  	_ =	shalt  }
0x68: {  	_ =	shalt  }
0x69: {  	_ =	shalt  }
0x6a: {  	_ =	shalt  }
0x6b: {  	_ =	shalt  }
0x6c: {  	_ =	shalt  }
0x6d: {  	_ =	shalt  }
0x6e: {  	_ =	shalt  }
0x6f: {  	_ =	shalt  }
0x70: {  	_ =	shalt  }
0x71: {  	_ =	shalt  }
0x72: {  	_ =	shalt  }
0x73: {  	_ =	shalt  }
0x74: {  	_ =	shalt  }
0x75: {  	_ =	shalt  }
0x76: {  	_ =	shalt  }
0x77: {  	_ =	shalt  }
0x78: {  	_ =	shalt  }
0x79: {  	_ =	shalt  }
0x7a: {  	_ =	shalt  }
0x7b: {  	_ =	shalt  }
0x7c: {  	_ =	shalt  }
0x7d: {  	_ =	shalt  }
0x7e: {  	_ =	shalt  }
0x7f: {  	_ =	shalt  }
0x80: {  	_ =	shalt  }
0x81: {  	_ =	shalt  }
0x82: {  	_ =	shalt  }
0x83: {  	_ =	shalt  }
0x84: {  	_ =	shalt  }
0x85: {  	_ =	shalt  }
0x86: {  	_ =	shalt  }
0x87: {  	_ =	shalt  }
.Lfunc_end0:
.L_simem_size_0:
called_computation_lowered:
.L_overlay_start_0:
0x88: {  	s2 =	sld [smem:$0x3FD9]  }
0x89: {  	s3 =	sld [smem:$0x3FFE];
	_ =	sdelay $0x1  }
0x8a: {  	s1 =	srdreg.scid  }
0x8b: {  	s0 =	sand.u32 $0x1, s1  }
0x8c: {  	s15 =	sshll.u32 s0, $0xA;
	s2 =	sadd.s32 s3, s2  }
0x8d: {  	s2 =	sadd.s32 s2, s15  }
0x8e: {  	[smem:$0x3FC5] =	sst s2  }
0x8f: {  	_ = 	snop  }
0x90: {  	s2 =	sld [smem:$0x3FD0];
	_ =	sdelay $0x1  }
0x91: {  	s16 =	sld [smem:$0x3FC8]  }
0x92: {  	s5 =	simm.s32 $0xA;
	s6 =	simm.s32 $0x10;
	s4 =	sld [smem:$0x3FC7]  }
0x93: {  	[smem:s6], [sflag:s5] =	dma.local [hbm:s2], $0x1  }
0x94: {  	_ =	swait.eq [sflag:s5], $0x1  }
0x95: {  	[sflag:s5] =	ssyncset.done $0x0  }
0x96: {  	s17 =	sld [smem:$0x10];
	[sflag:s5] =	ssyncadd.s32 $0xFFFFFFFF  }
0x97: {  	s18 =	sld [smem:$0x11];
	(tm) =	ssettm $0x1  }
0x98: {  	s19 =	sld [smem:$0x3FFB];
	_ =	sdelay $0x3  }
0x99: {  	_ =	strace s19  }
0x9a: {  	s6 =	sld [smem:$0x3FFC];
	_ =	sdelay $0x3  }
0x9b: {  	_ =	strace s6  }
0x9c: {  	s6 =	sld [smem:$0x3FFD];
	_ =	sdelay $0x3  }
0x9d: {  	_ =	strace s6  }
0x9e: {  	_ =	strace $0x8FFFFFFF  }
0x9f: {  	s20 =	sld [smem:$0x3FDB];
	_ =	sdelay $0x1  }
0xa0: {  	s7 =	simm.s32 $_scs_section_size  }
0xa1: {  	s8 =	simm.s32 $_size__tile_overlayer_lowered;
	s9 =	simm.s32 $_tile_overlayer_lowered  }
0xa2: {  	s23 =	simm.s32 $0x1BFF;
	s22 =	sshll.u32 s9, $0x1;
	s6 =	sadd.s32 s7, s20  }
0xa3: {  	s10 =	simm.s32 $0x0;
	s21 =	sshll.u32 s8, $0x1;
	s8 =	sadd.s32 s22, s6  }
0xa4: {  	[timem:s10], [sflag:s23] =	dma.local [hbm:s8], s21  }
0xa5: {  	_ =	swait.ge [sflag:s23], s21  }
0xa6: {  	s7 =	ssub.s32 $0x0, s21;
	[sflag:s23] =	ssyncset.done $0x0  }
0xa7: {  	[sflag:s23] =	ssyncadd.s32 s7;
	_ =	sdelay $0x1  }
0xa8: {  	s24 =	simm.s32 $0x1B8B  }
0xa9: {  	_ =	swait.ge [sflag:s24], $0x1  }
0xaa: {  	[sflag:s24] =	ssyncset.done $0x0  }
0xab: {  	s25 =	simm.s32 $0x1B8E;
	[sflag:s24] =	ssyncadd.s32 $0xFFFFFFFF  }
0xac: {  	s26 =	simm.s32 $execute0_lowered;
	[smem:$0x3FD2] =	sst s25  }
0xad: {  	s7 =	sshll.u32 s26, $0x1;
	_ =	strace $0x80000046;
	[dreg:$0x1] =	wrdreg $0xFFFFFFFF  }
0xae: {  	s28 =	simm.s32 $_size_execute0_lowered;
	s6 =	sadd.s32 s6, s7;
	[dreg:$0x0] =	wrdreg $0x0  }
0xaf: {  	s7 =	sshll.u32 s28, $0x1;
	[dreg:$0x2] =	wrdreg s6  }
0xb0: {  	[dreg:$0x3] =	wrdreg s7  }
0xb1: {  	[dreg:$0x4] =	wrdreg $0xC0  }
0xb2: {  	_ =	task [dreg:s10], $0x5FFFF  }
0xb3: {  	[dreg:$0x1] =	wrdreg $0xFFFFFFFF  }
0xb4: {  	[dreg:$0x0] =	wrdreg $0x60  }
0xb5: {  	[dreg:$0x2] =	wrdreg s16  }
0xb6: {  	[dreg:$0x3] =	wrdreg s4  }
0xb7: {  	[dreg:$0x4] =	wrdreg s17  }
0xb8: {  	[dreg:$0x5] =	wrdreg s18  }
0xb9: {  	[dreg:$0x6] =	wrdreg $0x9  }
0xba: {  	_ =	task.clear_ibuf [dreg:s10], $0x7FFFF;
	_ =	strace $0x90000046  }
0xbb: {  	s29 =	simm.s32 $0x9;
	_ =	strace $0x80000048  }
0xbc: {  	_ =	swait.ge [sflag:s29], $0x1  }
0xbd: {  	[sflag:s29] =	ssyncadd.s32 $0xFFFFFFFF  }
0xbe: {  	_ =	strace $0x90000048  }
0xbf: {  	_ =	sfence  }
0xc0: {  	s30 =	sld [smem:$0x0];
	_ =	sdelay $0x2  }
0xc1: {  	s31 =	sshll.u32 s1, $0xD;
	s1 =	sshrl.u32 s1, $0x2  }
0xc2: {  	s3 =	sand.u32 $0x4000, s31;
	s1 =	sadd.s32 s1, s30  }
0xc3: {  	s0 =	sor.u32 s3, s0;
	s1 =	sshll.u32 s1, $0x11  }
0xc4: {  	s0 =	sor.u32 s1, s0  }
0xc5: {  	s0 =	sadd.s32 $0x8F2B, s0  }
0xc6: {  	[sflag:s0] =	ssyncadd.remote.s32 $0x1  }
0xc7: {  	_ =	sfence.sel $0xFFFF  }
0xc8: {  	[dreg:$0x0] =	wrdreg $0xFFFFFFFF;
	(pc) =	sbr.abs _section_cstart, $3  }
0xc9: {  	[dreg:$0x1] =	wrdreg $0xFFFFFFFF  }
0xca: {  	_ =	task.clear_ibuf [dreg:s10], $0x2FFFF;
	_ =	strace $0x9FFFFFFF  }
0xcb: {  	(tm) =	ssettm $0x7FFFFFFF  }
tec
execute0_lowered:
.L_overlay_start_1:
0x0: {  	(tag) =	ssettag $0x1  }
0x1: {  	s1 =	rddreg [dreg:$0x0]  }
0x2: {  	s2 =	rddreg [dreg:$0x1]  }
0x3: {  	s8 =	rddreg [dreg:$0x2]  }
0x4: {  	s10 =	rddreg [dreg:$0x3];
	s3 =	simm.s32 $0x0  }
0x5: {  	[smem:$0x7FF] =	sst s3  }
0x6: {  	s0 =	rddreg [dreg:$0x4];
	s4 =	simm.s32 $0x1;
	_ =	strace $0x80000047  }
0x7: {  	[tilespmem:s3], [sflag:$0x1] =	stream.linear.gather [hbm4b:s1+s3], $0x80, $0x38;
	[tilespmem:$0x580] =	vst v63  }
0x8: {  	_ =	swait.ge [sflag:s4], $0x80  }
0x9: {  	v0 =	vlaneseq.u32;
	[sflag:s4] =	ssyncset.done $0x0  }
0xa: {  	s5 =	simm.s32 $0x80;
	v1 =	vand.u32 $0x7, v0;
	[sflag:s4] =	ssyncadd.s32 $0xFFFFFF80  }
0xb: {  	[tilespmem:s5], [sflag:$0x1] =	stream.linear.gather [hbm4b:s2+s3], $0x80, $0x38;
	[tilespmem:$0x580] =	vst v63  }
0xc: {  	_ =	swait.ge [sflag:s4], $0x80  }
0xd: {  	[sflag:s4] =	ssyncset.done $0x0  }
0xe: {  	[sflag:s4] =	ssyncadd.s32 $0xFFFFFF80  }
0xf: {  	v2 =	vld.idx.msk [tilespmem:v1+s5+$0x0], $0xffff;
	_ =	sdelay $0x4  }
0x10: {  	v3 =	vand.u32 $0x7FFFFFFF, v2  }
0x11: {  	v3 =	vsub.f32 $0.0e+00, v3;
	_ =	sdelay $0x1  }
0x12: {  	v3 =	vmul.f32 $1.442695020e+00, v3;
	_ =	sdelay $0x1  }
0x13: {  	(erf) = vpow2.f32 v3;
	_ =	sdelay $0x8  }
0x14: {  	v3 =	vpop (erf)  }
0x15: {  	v4 =	vmul.f32 $4.000000000e+00, v3;
	_ =	sdelay $0x1  }
0x16: {  	v4 =	vadd.f32 $6.000000000e+00, v4;
	_ =	sdelay $0x1  }
0x17: {  	(erf) = vrcp.f32 v4;
	_ =	sdelay $0x5  }
0x18: {  	v62 =	vadd.f32 $6.000000000e+00, v3;
	_ =	sdelay $0x1  }
0x19: {  	v4 =	vmul.f32 v62, v3  }
0x1a: {  	v5 =	vpop (erf)  }
0x1b: {  	v4 =	vmul.f32 v5, v4;
	_ =	sdelay $0x1  }
0x1c: {  	v5 =	vsub.f32 $0.0e+00, v4;
	_ =	sdelay $0x1  }
0x1d: {  	v5 =	vmul.f32 $1.442695020e+00, v5;
	_ =	sdelay $0x1  }
0x1e: {  	(erf) = vpow2.f32 v5;
	_ =	sdelay $0x7  }
0x1f: {  	v3 =	vadd.f32 $1.000000000e+00, v3  }
0x20: {  	v5 =	vpop (erf)  }
0x21: {  	v5 =	vmul.f32 v5, v3;
	_ =	sdelay $0x1  }
0x22: {  	v4 =	vadd.f32 v5, v4;
	_ =	sdelay $0x1  }
0x23: {  	v4 =	vadd.f32 $-1.000000000e+00, v4;
	_ =	sdelay $0x1  }
0x24: {  	v63 =	vsub.f32 $0.0e+00, v4;
	_ =	sdelay $0x1  }
0x25: {  	v5 =	vmul.f32 $1.442695020e+00, v63;
	_ =	sdelay $0x1  }
0x26: {  	(erf) = vpow2.f32 v5;
	_ =	sdelay $0x8  }
0x27: {  	v5 =	vpop (erf)  }
0x28: {  	v3 =	vmul.f32 v5, v3;
	_ =	sdelay $0x1  }
0x29: {  	v3 =	vadd.f32 v3, v4;
	_ =	sdelay $0x1  }
0x2a: {  	v3 =	vadd.f32 $-1.000000000e+00, v3  }
0x2b: {  	v2 =	vmax.f32 v2, $0.0e+00  }
0x2c: {  	v2 =	vadd.f32 v3, v2;
	_ =	sdelay $0x1  }
0x2d: {  	v2 =	vadd.f32 $9.999999970e-07, v2;
	_ =	sdelay $0x1  }
0x2e: {  	(erf) = vrcp.f32 v2;
	_ =	sdelay $0x4  }
0x2f: {  	s7 =	srdreg.scid  }
0x30: {  	s9 =	sand.u32 $0x1, s7  }
0x31: {  	s6 =	stileid.u32;
	s12 =	ssub.s32 $0x2, s9  }
0x32: {  	s31 =	sshll.u32 s6, $0x7;
	s11 =	sshll.u32 s9, $0x6;
	s13 =	sshrl.u32 s12, $0x1  }
0x33: {  	s7 =	simm.s32 $0x100;
	s11 =	sor.u32 s11, s31;
	s12 =	ssub.s32 s12, s13;
	v2 =	vpop (erf)  }
0x34: {  	s9 =	simm.s32 $0x180;
	s8 =	sadd.s32 s8, s11;
	s12 =	smax.u32 s12, $0x1;
	[tilespmem:v0+s7+$0x0] =	vst.idx.msk $0xffff, v2  }
0x35: {  	[hbm4b:s8+s3] =	stream.linear.scatter [tilespmem:s9], [sflag:$0x1], $0x200, $0x38;
	[tilespmem:$0x580] =	vst v63  }
0x36: {  	p0 =	sne.s32 s12, $0x1;
	_ =	swait.ge [sflag:s4], $0x200  }
.Ltmp0:
0x37: {  	[sflag:s4] =	ssyncset.done $0x0;
	(pc) =	sbr.rel @!p0 .LBB2_2-.Ltmp0, $4  }
0x38: {  	s10 =	sadd.s32 s10, s11;
	s11 =	simm.s32 $0x380;
	[sflag:s4] =	ssyncadd.s32 $0xFFFFFE00  }
0x39: {  	[hbm4b:s10+s3] =	stream.linear.scatter [tilespmem:s11], [sflag:$0x1], $0x200, $0x38;
	[tilespmem:$0x580] =	vst v63  }
0x3a: {  	_ =	swait.ge [sflag:s4], $0x200  }
0x3b: {  	s12 =	sadd.s32 $0xFFFFFFFF, s12;
	[sflag:s4] =	ssyncset.done $0x0  }
.LBB2_1:
0x3c: {  	p0 =	sne.s32 s12, $0x1;
	s12 =	sadd.s32 $0xFFFFFFFF, s12;
	[sflag:s4] =	ssyncadd.s32 $0xFFFFFE00  }
0x3d: {  	[tilespmem:s3], [sflag:$0x1] =	stream.linear.gather [hbm4b:s1+s3], $0x80, $0x38;
	[tilespmem:$0x580] =	vst v63  }
0x3e: {  	_ =	swait.ge [sflag:s4], $0x80  }
0x3f: {  	[sflag:s4] =	ssyncset.done $0x0  }
0x40: {  	[sflag:s4] =	ssyncadd.s32 $0xFFFFFF80  }
0x41: {  	[tilespmem:s5], [sflag:$0x1] =	stream.linear.gather [hbm4b:s2+s3], $0x80, $0x38;
	[tilespmem:$0x580] =	vst v63  }
0x42: {  	_ =	swait.ge [sflag:s4], $0x80  }
0x43: {  	[sflag:s4] =	ssyncset.done $0x0  }
0x44: {  	[sflag:s4] =	ssyncadd.s32 $0xFFFFFF80  }
0x45: {  	v2 =	vld.idx.msk [tilespmem:v1+s5+$0x0], $0xffff;
	_ =	sdelay $0x5  }
0x46: {  	v3 =	vand.u32 $0x7FFFFFFF, v2  }
0x47: {  	v3 =	vsub.f32 $0.0e+00, v3;
	_ =	sdelay $0x1  }
0x48: {  	v3 =	vmul.f32 $1.442695020e+00, v3;
	_ =	sdelay $0x1  }
0x49: {  	(erf) = vpow2.f32 v3;
	_ =	sdelay $0x8  }
0x4a: {  	v3 =	vpop (erf)  }
0x4b: {  	v4 =	vadd.f32 $6.000000000e+00, v3;
	v5 =	vmul.f32 $4.000000000e+00, v3;
	_ =	sdelay $0x1  }
0x4c: {  	v4 =	vmul.f32 v4, v3;
	v5 =	vadd.f32 $6.000000000e+00, v5;
	_ =	sdelay $0x1  }
0x4d: {  	(erf) = vrcp.f32 v5;
	_ =	sdelay $0x8  }
0x4e: {  	v5 =	vpop (erf)  }
0x4f: {  	v4 =	vmul.f32 v5, v4;
	_ =	sdelay $0x1  }
0x50: {  	v5 =	vsub.f32 $0.0e+00, v4;
	_ =	sdelay $0x1  }
0x51: {  	v5 =	vmul.f32 $1.442695020e+00, v5;
	_ =	sdelay $0x1  }
0x52: {  	(erf) = vpow2.f32 v5;
	_ =	sdelay $0x7  }
0x53: {  	v3 =	vadd.f32 $1.000000000e+00, v3  }
0x54: {  	v5 =	vpop (erf)  }
0x55: {  	v5 =	vmul.f32 v5, v3;
	_ =	sdelay $0x1  }
0x56: {  	v4 =	vadd.f32 v5, v4;
	_ =	sdelay $0x1  }
0x57: {  	v4 =	vadd.f32 $-1.000000000e+00, v4;
	_ =	sdelay $0x1  }
0x58: {  	v5 =	vsub.f32 $0.0e+00, v4;
	_ =	sdelay $0x1  }
0x59: {  	v5 =	vmul.f32 $1.442695020e+00, v5;
	_ =	sdelay $0x1  }
0x5a: {  	(erf) = vpow2.f32 v5;
	_ =	sdelay $0x8  }
0x5b: {  	v5 =	vpop (erf)  }
0x5c: {  	v3 =	vmul.f32 v5, v3;
	_ =	sdelay $0x1  }
0x5d: {  	v3 =	vadd.f32 v3, v4;
	_ =	sdelay $0x1  }
0x5e: {  	v3 =	vadd.f32 $-1.000000000e+00, v3  }
0x5f: {  	v2 =	vmax.f32 v2, $0.0e+00  }
0x60: {  	v2 =	vadd.f32 v3, v2;
	_ =	sdelay $0x1  }
0x61: {  	v2 =	vadd.f32 $9.999999970e-07, v2;
	_ =	sdelay $0x1  }
0x62: {  	(erf) = vrcp.f32 v2;
	_ =	sdelay $0x8  }
0x63: {  	v2 =	vpop (erf)  }
0x64: {  	[tilespmem:v0+s7+$0x0] =	vst.idx.msk $0xffff, v2  }
0x65: {  	[hbm4b:s8+s3] =	stream.linear.scatter [tilespmem:s9], [sflag:$0x1], $0x200, $0x38;
	[tilespmem:$0x580] =	vst v63  }
0x66: {  	_ =	swait.ge [sflag:s4], $0x200  }
.Ltmp1:
0x67: {  	[sflag:s4] =	ssyncset.done $0x0;
	(pc) =	sbr.rel @p0 .LBB2_1-.Ltmp1, $4  }
0x68: {  	[sflag:s4] =	ssyncadd.s32 $0xFFFFFE00  }
0x69: {  	[hbm4b:s10+s3] =	stream.linear.scatter [tilespmem:s11], [sflag:$0x1], $0x200, $0x38;
	[tilespmem:$0x580] =	vst v63  }
0x6a: {  	_ =	swait.ge [sflag:s4], $0x200  }
0x6b: {  	[sflag:s4] =	ssyncset.done $0x0  }
.LBB2_2:
0x6c: {  	[sflag:s4] =	ssyncadd.s32 $0xFFFFFE00  }
0x6d: {  	_ =	sfence.sel $0x180000  }
0x6e: {  	[bflag:$0x0] =	sbarrier.arrive $0xFFFF  }
0x6f: {  	p0 =	sne.s32 s6, $0x0;
	_ =	strace $0x90000047  }
0x70: {  	s0 =	sadd.s32 @!p0 $0x100000, s0;
	[bflag:$0x2] =	sbarrier.arrive $0xFFFF  }
0x71: {  	[sflag:s0] =	ssyncadd.tile.s32 @!p0 $0x1;
	_ =	shalt  }
.Lfunc_end2:
_tile_overlayer_lowered:
.L_overlay_start_2:
0x72: {  	(tag) =	ssettag $0x2  }
0x73: {  	s0 =	rddreg [dreg:$0x0];
	s2 =	stileid.u32  }
0x74: {  	s1 =	rddreg [dreg:$0x1];
	p0 =	sne.s32 s2, $0x0  }
0x75: {  	s3 =	rddreg [dreg:$0x2];
	[bflag:$0x3] =	sbarrier.arrive $0xFFFF;
	s2 =	simm.s32 @!p0 $0x1C01  }
0x76: {  	[timem:s3], [sflag:s2] =	dma.local @!p0 [hbm:s0], s1  }
0x77: {  	s0 =	simm.s32 @!p0 $0x1  }
0x78: {  	_ =	swait.ge @!p0 [sflag:s0], s1  }
0x79: {  	s1 =	ssub.s32 @!p0 $0x0, s1;
	[sflag:s0] =	ssyncset.done @!p0 $0x0  }
0x7a: {  	[sflag:s0] =	ssyncadd.s32 @!p0 s1  }
0x7b: {  	[bflag:$0x3] =	sbarrier.arrive $0xFFFF  }
0x7c: {  	_ =	shalt  }

</sc_bundles>
